<compile_context>
chip_gen: v7x
topology: tpu7x:2x2x1
jax: 0.10.2.dev20260603
libtpu: 0.0.44.dev20260713+nightly
codegen_flags: <defaults>
</compile_context>

<pallas_src>
import functools

import jax
import jax.numpy as jnp
from jax import lax
from jax.experimental import pallas as pl
from jax.experimental.pallas import tpu as pltpu
from jax.experimental.pallas import tpu_sc as plsc

BATCH = 4096
SEQ = 50
DIM = 128
LANES = 16
NCORE = 2
NSUB = 16
NWORKER = NCORE * NSUB
SENT_PER_W = BATCH // NWORKER
LGROUPS = DIM // LANES
NQ = 2


def _embed_body(idx_hbm, table_hbm, out_hbm, idx_v, acc_v, isem, gsems):
    c = lax.axis_index("c")
    s = lax.axis_index("s")
    w = c * NSUB + s
    sent_base = pl.multiple_of(w * SENT_PER_W, SENT_PER_W)

    pltpu.async_copy(idx_hbm.at[:, pl.ds(sent_base, SENT_PER_W)], idx_v,
                     isem)

    zero = jnp.zeros((LANES,), jnp.float32)

    def zbody(r, carry):
        for l in range(LGROUPS):
            acc_v[r, pl.ds(l * LANES, LANES)] = zero
        return carry

    lax.fori_loop(0, SENT_PER_W, zbody, 0)
    pltpu.make_async_copy(idx_hbm.at[:, pl.ds(sent_base, SENT_PER_W)],
                          idx_v, isem).wait()

    def gbody(g, carry):
        pltpu.async_copy(table_hbm.at[idx_v.at[g]], acc_v,
                         gsems.at[lax.rem(g, NQ)], add=True)
        return carry

    lax.fori_loop(0, SEQ, gbody, 0)

    def wbody(g, carry):
        pltpu.make_async_copy(table_hbm.at[idx_v.at[g]], acc_v,
                              gsems.at[lax.rem(g, NQ)]).wait()
        return carry

    lax.fori_loop(0, SEQ, wbody, 0)

    scale = jnp.float32(1.0 / SEQ)

    def cbody(r, carry):
        for l in range(LGROUPS):
            sl = pl.ds(l * LANES, LANES)
            acc_v[r, sl] = acc_v[r, sl] * scale
        return carry

    lax.fori_loop(0, SENT_PER_W, cbody, 0)

    pltpu.sync_copy(acc_v, out_hbm.at[pl.ds(sent_base, SENT_PER_W)])


def _make():
    return functools.partial(
        pl.kernel,
        mesh=plsc.VectorSubcoreMesh(core_axis_name="c", subcore_axis_name="s"),
        out_type=jax.ShapeDtypeStruct((BATCH, DIM), jnp.float32),
        scratch_types=[
            pltpu.VMEM((SEQ, SENT_PER_W), jnp.int32),
            pltpu.VMEM((SENT_PER_W, DIM), jnp.float32),
            pltpu.SemaphoreType.DMA,
            pltpu.SemaphoreType.DMA((NQ,)),
        ],
    )(_embed_body)


def kernel(indices, table):
    return _make()(indices.astype(jnp.int32).T, table)

# --- scband reference (transcript-rebuilt; emitter-appended) ---
"""Pipeline reference for scband-fast-text-embedder-88261577933367 (READ-ONLY COPY).

The authoritative reference and input builder live on the scoring server;
editing this copy changes nothing except your own understanding.
"""

import jax, jax.numpy as jnp
import numpy as np

NUM_EMBEDDINGS = 1000000
EMBED_DIM = 128
BATCH = 4096
SEQ = 50

def setup_inputs(seed: int = 0) -> dict:
    key = jax.random.key(seed)
    k_idx, k_tab = jax.random.split(key)
    indices = jax.random.randint(k_idx, (BATCH, SEQ), 0, NUM_EMBEDDINGS, dtype=jnp.int64 if jax.config.jax_enable_x64 else jnp.int32)
    table = jax.random.normal(k_tab, (NUM_EMBEDDINGS, EMBED_DIM), dtype=jnp.float32)
    return {"indices": indices, "table": table}

def reference(indices, table):
    # Original module: for each sentence, sum word vectors then divide by word count,
    # stacking results into [batch, dim]. Equivalent to mean-pooled embedding lookup.
    word_embs = jnp.take(table, indices, axis=0)        # [B, L, D] gather
    summed = jnp.sum(word_embs, axis=1)                  # running += over words
    embs = summed / indices.shape[1]                     # emb /= len(words)
    return embs                                          # [B, D]

if __name__ == "__main__":
    import jax
    _d = setup_inputs()
    print(jax.jit(kernel)(*tuple(_d.values())))

</pallas_src>

<mosaic_0001>
#map = affine_map<(d0, d1) -> (0, 0)>
module attributes {stable_mosaic.version = 14 : i64} {
  func.func @_embed_body(%arg0: i32, %arg1: i32, %arg2: memref<50x4096xi32, #tpu.memory_space<hbm>>, %arg3: memref<1000000x128xf32, #tpu.memory_space<hbm>>, %arg4: memref<4096x128xf32, #tpu.memory_space<hbm>>, %arg5: memref<50x128xi32, #tpu.memory_space<vmem>>, %arg6: memref<128x128xf32, #tpu.memory_space<vmem>>, %arg7: memref<!tpu.dma_semaphore, #tpu.memory_space<semaphore_mem>>, %arg8: memref<2x!tpu.dma_semaphore, #tpu.memory_space<semaphore_mem>>) attributes {dimension_semantics = [#tpu.dimension_semantics<core_parallel>, #tpu.dimension_semantics<subcore_parallel>], iteration_bounds = array<i64: 2, 16>, scalar_prefetch = 0 : i64, scratch_operands = 4 : i64, tpu.core_type = #tpu.core_type<sc_vector_subcore>, window_params = [{transform_indices = #map}, {transform_indices = #map}, {transform_indices = #map}]} {
    %mul3A = arith.constant 16 : i32
    %mul3A_0 = arith.muli %arg0, %mul3A : i32
    %add3A = arith.addi %mul3A_0, %arg1 : i32
    %mul3A_1 = arith.constant 128 : i32
    %mul3A_2 = arith.muli %add3A, %mul3A_1 : i32
    %multiple_of3A = tpu.assume_multiple %mul3A_2, 128 : i32
    %dma_start3A = arith.constant 0 : i32
    %dma_start3A_3 = tpu.memref_slice %arg2[%dma_start3A, %multiple_of3A] : memref<50x4096xi32, #tpu.memory_space<hbm>> -> memref<50x128xi32, #tpu.memory_space<hbm>>
    %dma_start3A_4 = arith.constant 0 : i32
    %dma_start3A_5 = tpu.memref_slice %arg2[%dma_start3A_4, %multiple_of3A] : memref<50x4096xi32, #tpu.memory_space<hbm>> -> memref<50x128xi32, #tpu.memory_space<hbm>>
    tpu.enqueue_dma source(%dma_start3A_5 : memref<50x128xi32, #tpu.memory_space<hbm>>) target(%arg5 : memref<50x128xi32, #tpu.memory_space<vmem>>) target_semaphore(%arg7 : memref<!tpu.dma_semaphore, #tpu.memory_space<semaphore_mem>>)
    %broadcast_in_dim3A = arith.constant 0.000000e+00 : f32
    %broadcast_in_dim3A_6 = vector.broadcast %broadcast_in_dim3A : f32 to vector<16xf32>
    %scan3A = arith.constant 0 : i32
    %scan3A_7 = arith.constant 0 : i32
    %scan3A_8 = arith.constant 128 : i32
    %scan3A_9 = arith.addi %scan3A_7, %scan3A_8 : i32
    %scan3A_10 = arith.constant 1 : i32
    scf.for %scan3A_34 = %scan3A_7 to %scan3A_9 step %scan3A_10  : i32 {
      %swap3A = arith.index_cast %scan3A_34 : i32 to index
      %swap3A_35 = arith.constant 0 : index
      %swap3A_36 = tpu.vector_load %arg6[%swap3A, %swap3A_35] {strides = array<i32>} : memref<128x128xf32, #tpu.memory_space<vmem>>, vector<1x16xf32>,
      %swap3A_37 = vector.shape_cast %swap3A_36 : vector<1x16xf32> to vector<16xf32>
      %swap3A_38 = vector.shape_cast %broadcast_in_dim3A_6 : vector<16xf32> to vector<1x16xf32>
      tpu.vector_store %arg6[%swap3A, %swap3A_35], %swap3A_38 {strides = array<i32>} : memref<128x128xf32, #tpu.memory_space<vmem>>, vector<1x16xf32>,
      %swap3A_39 = arith.index_cast %scan3A_34 : i32 to index
      %swap3A_40 = arith.constant 16 : index
      %swap3A_41 = tpu.vector_load %arg6[%swap3A_39, %swap3A_40] {strides = array<i32>} : memref<128x128xf32, #tpu.memory_space<vmem>>, vector<1x16xf32>,
      %swap3A_42 = vector.shape_cast %swap3A_41 : vector<1x16xf32> to vector<16xf32>
      %swap3A_43 = vector.shape_cast %broadcast_in_dim3A_6 : vector<16xf32> to vector<1x16xf32>
      tpu.vector_store %arg6[%swap3A_39, %swap3A_40], %swap3A_43 {strides = array<i32>} : memref<128x128xf32, #tpu.memory_space<vmem>>, vector<1x16xf32>,
      %swap3A_44 = arith.index_cast %scan3A_34 : i32 to index
      %swap3A_45 = arith.constant 32 : index
      %swap3A_46 = tpu.vector_load %arg6[%swap3A_44, %swap3A_45] {strides = array<i32>} : memref<128x128xf32, #tpu.memory_space<vmem>>, vector<1x16xf32>,
      %swap3A_47 = vector.shape_cast %swap3A_46 : vector<1x16xf32> to vector<16xf32>
      %swap3A_48 = vector.shape_cast %broadcast_in_dim3A_6 : vector<16xf32> to vector<1x16xf32>
      tpu.vector_store %arg6[%swap3A_44, %swap3A_45], %swap3A_48 {strides = array<i32>} : memref<128x128xf32, #tpu.memory_space<vmem>>, vector<1x16xf32>,
      %swap3A_49 = arith.index_cast %scan3A_34 : i32 to index
      %swap3A_50 = arith.constant 48 : index
      %swap3A_51 = tpu.vector_load %arg6[%swap3A_49, %swap3A_50] {strides = array<i32>} : memref<128x128xf32, #tpu.memory_space<vmem>>, vector<1x16xf32>,
      %swap3A_52 = vector.shape_cast %swap3A_51 : vector<1x16xf32> to vector<16xf32>
      %swap3A_53 = vector.shape_cast %broadcast_in_dim3A_6 : vector<16xf32> to vector<1x16xf32>
      tpu.vector_store %arg6[%swap3A_49, %swap3A_50], %swap3A_53 {strides = array<i32>} : memref<128x128xf32, #tpu.memory_space<vmem>>, vector<1x16xf32>,
      %swap3A_54 = arith.index_cast %scan3A_34 : i32 to index
      %swap3A_55 = arith.constant 64 : index
      %swap3A_56 = tpu.vector_load %arg6[%swap3A_54, %swap3A_55] {strides = array<i32>} : memref<128x128xf32, #tpu.memory_space<vmem>>, vector<1x16xf32>,
      %swap3A_57 = vector.shape_cast %swap3A_56 : vector<1x16xf32> to vector<16xf32>
      %swap3A_58 = vector.shape_cast %broadcast_in_dim3A_6 : vector<16xf32> to vector<1x16xf32>
      tpu.vector_store %arg6[%swap3A_54, %swap3A_55], %swap3A_58 {strides = array<i32>} : memref<128x128xf32, #tpu.memory_space<vmem>>, vector<1x16xf32>,
      %swap3A_59 = arith.index_cast %scan3A_34 : i32 to index
      %swap3A_60 = arith.constant 80 : index
      %swap3A_61 = tpu.vector_load %arg6[%swap3A_59, %swap3A_60] {strides = array<i32>} : memref<128x128xf32, #tpu.memory_space<vmem>>, vector<1x16xf32>,
      %swap3A_62 = vector.shape_cast %swap3A_61 : vector<1x16xf32> to vector<16xf32>
      %swap3A_63 = vector.shape_cast %broadcast_in_dim3A_6 : vector<16xf32> to vector<1x16xf32>
      tpu.vector_store %arg6[%swap3A_59, %swap3A_60], %swap3A_63 {strides = array<i32>} : memref<128x128xf32, #tpu.memory_space<vmem>>, vector<1x16xf32>,
      %swap3A_64 = arith.index_cast %scan3A_34 : i32 to index
      %swap3A_65 = arith.constant 96 : index
      %swap3A_66 = tpu.vector_load %arg6[%swap3A_64, %swap3A_65] {strides = array<i32>} : memref<128x128xf32, #tpu.memory_space<vmem>>, vector<1x16xf32>,
      %swap3A_67 = vector.shape_cast %swap3A_66 : vector<1x16xf32> to vector<16xf32>
      %swap3A_68 = vector.shape_cast %broadcast_in_dim3A_6 : vector<16xf32> to vector<1x16xf32>
      tpu.vector_store %arg6[%swap3A_64, %swap3A_65], %swap3A_68 {strides = array<i32>} : memref<128x128xf32, #tpu.memory_space<vmem>>, vector<1x16xf32>,
      %swap3A_69 = arith.index_cast %scan3A_34 : i32 to index
      %swap3A_70 = arith.constant 112 : index
      %swap3A_71 = tpu.vector_load %arg6[%swap3A_69, %swap3A_70] {strides = array<i32>} : memref<128x128xf32, #tpu.memory_space<vmem>>, vector<1x16xf32>,
      %swap3A_72 = vector.shape_cast %swap3A_71 : vector<1x16xf32> to vector<16xf32>
      %swap3A_73 = vector.shape_cast %broadcast_in_dim3A_6 : vector<16xf32> to vector<1x16xf32>
      tpu.vector_store %arg6[%swap3A_69, %swap3A_70], %swap3A_73 {strides = array<i32>} : memref<128x128xf32, #tpu.memory_space<vmem>>, vector<1x16xf32>,
    }
    %scan3A_11 = arith.constant 128 : i32
    %dma_wait3A = arith.constant 0 : i32
    %dma_wait3A_12 = tpu.memref_slice %arg2[%dma_wait3A, %multiple_of3A] : memref<50x4096xi32, #tpu.memory_space<hbm>> -> memref<50x128xi32, #tpu.memory_space<hbm>>
    %dma_wait3A_13 = arith.constant 0 : i32
    %dma_wait3A_14 = tpu.memref_slice %arg2[%dma_wait3A_13, %multiple_of3A] : memref<50x4096xi32, #tpu.memory_space<hbm>> -> memref<50x128xi32, #tpu.memory_space<hbm>>
    tpu.wait_dma2 semaphore(%arg7 : memref<!tpu.dma_semaphore, #tpu.memory_space<semaphore_mem>>) src(%dma_wait3A_14 : memref<50x128xi32, #tpu.memory_space<hbm>>) dst(%arg5 : memref<50x128xi32, #tpu.memory_space<vmem>>)
    %scan3A_15 = arith.constant 0 : i32
    %scan3A_16 = arith.constant 0 : i32
    %scan3A_17 = arith.constant 50 : i32
    %scan3A_18 = arith.addi %scan3A_16, %scan3A_17 : i32
    %scan3A_19 = arith.constant 1 : i32
    scf.for %scan3A_34 = %scan3A_16 to %scan3A_18 step %scan3A_19  : i32 {
      %rem3A = arith.constant 2 : i32
      %rem3A_35 = arith.remsi %scan3A_34, %rem3A : i32
      %dma_start3A_36 = arith.constant 0 : i32
      %dma_start3A_37 = tpu.memref_slice %arg5[%scan3A_34, %dma_start3A_36] : memref<50x128xi32, #tpu.memory_space<vmem>> -> memref<1x128xi32, #tpu.memory_space<vmem>>
      %dma_start3A_38 = tpu.memref_squeeze %dma_start3A_37 : memref<1x128xi32, #tpu.memory_space<vmem>> -> memref<128xi32, #tpu.memory_space<vmem>>
      %dma_start3A_39 = arith.constant 0 : i32
      %dma_start3A_40 = arith.constant 0 : i32
      %dma_start3A_41 = tpu.memref_slice %arg3[%dma_start3A_39, %dma_start3A_40] : memref<1000000x128xf32, #tpu.memory_space<hbm>> -> memref<1000000x128xf32, #tpu.memory_space<hbm>>
      %dma_start3A_42 = tpu.memref_slice %arg8[%rem3A_35] : memref<2x!tpu.dma_semaphore, #tpu.memory_space<semaphore_mem>> -> memref<1x!tpu.dma_semaphore, #tpu.memory_space<semaphore_mem>>
      %dma_start3A_43 = tpu.memref_squeeze %dma_start3A_42 : memref<1x!tpu.dma_semaphore, #tpu.memory_space<semaphore_mem>> -> memref<!tpu.dma_semaphore, #tpu.memory_space<semaphore_mem>>
      tpu.enqueue_indirect_dma source(%dma_start3A_41 : memref<1000000x128xf32, #tpu.memory_space<hbm>>) target(%arg6 : memref<128x128xf32, #tpu.memory_space<vmem>>) offsets(%dma_start3A_38 : memref<128xi32, #tpu.memory_space<vmem>>) semaphore(%dma_start3A_43 : memref<!tpu.dma_semaphore, #tpu.memory_space<semaphore_mem>>) {add = true}
    }
    %scan3A_20 = arith.constant 50 : i32
    %scan3A_21 = arith.constant 0 : i32
    %scan3A_22 = arith.constant 0 : i32
    %scan3A_23 = arith.constant 50 : i32
    %scan3A_24 = arith.addi %scan3A_22, %scan3A_23 : i32
    %scan3A_25 = arith.constant 1 : i32
    scf.for %scan3A_34 = %scan3A_22 to %scan3A_24 step %scan3A_25  : i32 {
      %rem3A = arith.constant 2 : i32
      %rem3A_35 = arith.remsi %scan3A_34, %rem3A : i32
      %dma_wait3A_36 = arith.constant 0 : i32
      %dma_wait3A_37 = tpu.memref_slice %arg5[%scan3A_34, %dma_wait3A_36] : memref<50x128xi32, #tpu.memory_space<vmem>> -> memref<1x128xi32, #tpu.memory_space<vmem>>
      %dma_wait3A_38 = tpu.memref_squeeze %dma_wait3A_37 : memref<1x128xi32, #tpu.memory_space<vmem>> -> memref<128xi32, #tpu.memory_space<vmem>>
      %dma_wait3A_39 = arith.constant 0 : i32
      %dma_wait3A_40 = arith.constant 0 : i32
      %dma_wait3A_41 = tpu.memref_slice %arg3[%dma_wait3A_39, %dma_wait3A_40] : memref<1000000x128xf32, #tpu.memory_space<hbm>> -> memref<1000000x128xf32, #tpu.memory_space<hbm>>
      %dma_wait3A_42 = tpu.memref_slice %arg8[%rem3A_35] : memref<2x!tpu.dma_semaphore, #tpu.memory_space<semaphore_mem>> -> memref<1x!tpu.dma_semaphore, #tpu.memory_space<semaphore_mem>>
      %dma_wait3A_43 = tpu.memref_squeeze %dma_wait3A_42 : memref<1x!tpu.dma_semaphore, #tpu.memory_space<semaphore_mem>> -> memref<!tpu.dma_semaphore, #tpu.memory_space<semaphore_mem>>
      tpu.wait_indirect_dma semaphore(%dma_wait3A_43 : memref<!tpu.dma_semaphore, #tpu.memory_space<semaphore_mem>>) src(%dma_wait3A_41 : memref<1000000x128xf32, #tpu.memory_space<hbm>>) dst(%arg6 : memref<128x128xf32, #tpu.memory_space<vmem>>)
    }
    %scan3A_26 = arith.constant 50 : i32
    %scan3A_27 = arith.constant 0 : i32
    %scan3A_28 = arith.constant 2.000000e-02 : f32
    %scan3A_29 = arith.constant 0 : i32
    %scan3A_30 = arith.constant 128 : i32
    %scan3A_31 = arith.addi %scan3A_29, %scan3A_30 : i32
    %scan3A_32 = arith.constant 1 : i32
    scf.for %scan3A_34 = %scan3A_29 to %scan3A_31 step %scan3A_32  : i32 {
      %get3A = arith.index_cast %scan3A_34 : i32 to index
      %get3A_35 = arith.constant 0 : index
      %get3A_36 = tpu.vector_load %arg6[%get3A, %get3A_35] {strides = array<i32>} : memref<128x128xf32, #tpu.memory_space<vmem>>, vector<1x16xf32>,
      %get3A_37 = vector.shape_cast %get3A_36 : vector<1x16xf32> to vector<16xf32>
      %mul3A_38 = vector.broadcast %scan3A_28 : f32 to vector<16xf32>
      %mul3A_39 = arith.mulf %get3A_37, %mul3A_38 : vector<16xf32>
      %swap3A = arith.index_cast %scan3A_34 : i32 to index
      %swap3A_40 = arith.constant 0 : index
      %swap3A_41 = tpu.vector_load %arg6[%swap3A, %swap3A_40] {strides = array<i32>} : memref<128x128xf32, #tpu.memory_space<vmem>>, vector<1x16xf32>,
      %swap3A_42 = vector.shape_cast %swap3A_41 : vector<1x16xf32> to vector<16xf32>
      %swap3A_43 = vector.shape_cast %mul3A_39 : vector<16xf32> to vector<1x16xf32>
      tpu.vector_store %arg6[%swap3A, %swap3A_40], %swap3A_43 {strides = array<i32>} : memref<128x128xf32, #tpu.memory_space<vmem>>, vector<1x16xf32>,
      %get3A_44 = arith.index_cast %scan3A_34 : i32 to index
      %get3A_45 = arith.constant 16 : index
      %get3A_46 = tpu.vector_load %arg6[%get3A_44, %get3A_45] {strides = array<i32>} : memref<128x128xf32, #tpu.memory_space<vmem>>, vector<1x16xf32>,
      %get3A_47 = vector.shape_cast %get3A_46 : vector<1x16xf32> to vector<16xf32>
      %mul3A_48 = vector.broadcast %scan3A_28 : f32 to vector<16xf32>
      %mul3A_49 = arith.mulf %get3A_47, %mul3A_48 : vector<16xf32>
      %swap3A_50 = arith.index_cast %scan3A_34 : i32 to index
      %swap3A_51 = arith.constant 16 : index
      %swap3A_52 = tpu.vector_load %arg6[%swap3A_50, %swap3A_51] {strides = array<i32>} : memref<128x128xf32, #tpu.memory_space<vmem>>, vector<1x16xf32>,
      %swap3A_53 = vector.shape_cast %swap3A_52 : vector<1x16xf32> to vector<16xf32>
      %swap3A_54 = vector.shape_cast %mul3A_49 : vector<16xf32> to vector<1x16xf32>
      tpu.vector_store %arg6[%swap3A_50, %swap3A_51], %swap3A_54 {strides = array<i32>} : memref<128x128xf32, #tpu.memory_space<vmem>>, vector<1x16xf32>,
      %get3A_55 = arith.index_cast %scan3A_34 : i32 to index
      %get3A_56 = arith.constant 32 : index
      %get3A_57 = tpu.vector_load %arg6[%get3A_55, %get3A_56] {strides = array<i32>} : memref<128x128xf32, #tpu.memory_space<vmem>>, vector<1x16xf32>,
      %get3A_58 = vector.shape_cast %get3A_57 : vector<1x16xf32> to vector<16xf32>
      %mul3A_59 = vector.broadcast %scan3A_28 : f32 to vector<16xf32>
      %mul3A_60 = arith.mulf %get3A_58, %mul3A_59 : vector<16xf32>
      %swap3A_61 = arith.index_cast %scan3A_34 : i32 to index
      %swap3A_62 = arith.constant 32 : index
      %swap3A_63 = tpu.vector_load %arg6[%swap3A_61, %swap3A_62] {strides = array<i32>} : memref<128x128xf32, #tpu.memory_space<vmem>>, vector<1x16xf32>,
      %swap3A_64 = vector.shape_cast %swap3A_63 : vector<1x16xf32> to vector<16xf32>
      %swap3A_65 = vector.shape_cast %mul3A_60 : vector<16xf32> to vector<1x16xf32>
      tpu.vector_store %arg6[%swap3A_61, %swap3A_62], %swap3A_65 {strides = array<i32>} : memref<128x128xf32, #tpu.memory_space<vmem>>, vector<1x16xf32>,
      %get3A_66 = arith.index_cast %scan3A_34 : i32 to index
      %get3A_67 = arith.constant 48 : index
      %get3A_68 = tpu.vector_load %arg6[%get3A_66, %get3A_67] {strides = array<i32>} : memref<128x128xf32, #tpu.memory_space<vmem>>, vector<1x16xf32>,
      %get3A_69 = vector.shape_cast %get3A_68 : vector<1x16xf32> to vector<16xf32>
      %mul3A_70 = vector.broadcast %scan3A_28 : f32 to vector<16xf32>
      %mul3A_71 = arith.mulf %get3A_69, %mul3A_70 : vector<16xf32>
      %swap3A_72 = arith.index_cast %scan3A_34 : i32 to index
      %swap3A_73 = arith.constant 48 : index
      %swap3A_74 = tpu.vector_load %arg6[%swap3A_72, %swap3A_73] {strides = array<i32>} : memref<128x128xf32, #tpu.memory_space<vmem>>, vector<1x16xf32>,
      %swap3A_75 = vector.shape_cast %swap3A_74 : vector<1x16xf32> to vector<16xf32>
      %swap3A_76 = vector.shape_cast %mul3A_71 : vector<16xf32> to vector<1x16xf32>
      tpu.vector_store %arg6[%swap3A_72, %swap3A_73], %swap3A_76 {strides = array<i32>} : memref<128x128xf32, #tpu.memory_space<vmem>>, vector<1x16xf32>,
      %get3A_77 = arith.index_cast %scan3A_34 : i32 to index
      %get3A_78 = arith.constant 64 : index
      %get3A_79 = tpu.vector_load %arg6[%get3A_77, %get3A_78] {strides = array<i32>} : memref<128x128xf32, #tpu.memory_space<vmem>>, vector<1x16xf32>,
      %get3A_80 = vector.shape_cast %get3A_79 : vector<1x16xf32> to vector<16xf32>
      %mul3A_81 = vector.broadcast %scan3A_28 : f32 to vector<16xf32>
      %mul3A_82 = arith.mulf %get3A_80, %mul3A_81 : vector<16xf32>
      %swap3A_83 = arith.index_cast %scan3A_34 : i32 to index
      %swap3A_84 = arith.constant 64 : index
      %swap3A_85 = tpu.vector_load %arg6[%swap3A_83, %swap3A_84] {strides = array<i32>} : memref<128x128xf32, #tpu.memory_space<vmem>>, vector<1x16xf32>,
      %swap3A_86 = vector.shape_cast %swap3A_85 : vector<1x16xf32> to vector<16xf32>
      %swap3A_87 = vector.shape_cast %mul3A_82 : vector<16xf32> to vector<1x16xf32>
      tpu.vector_store %arg6[%swap3A_83, %swap3A_84], %swap3A_87 {strides = array<i32>} : memref<128x128xf32, #tpu.memory_space<vmem>>, vector<1x16xf32>,
      %get3A_88 = arith.index_cast %scan3A_34 : i32 to index
      %get3A_89 = arith.constant 80 : index
      %get3A_90 = tpu.vector_load %arg6[%get3A_88, %get3A_89] {strides = array<i32>} : memref<128x128xf32, #tpu.memory_space<vmem>>, vector<1x16xf32>,
      %get3A_91 = vector.shape_cast %get3A_90 : vector<1x16xf32> to vector<16xf32>
      %mul3A_92 = vector.broadcast %scan3A_28 : f32 to vector<16xf32>
      %mul3A_93 = arith.mulf %get3A_91, %mul3A_92 : vector<16xf32>
      %swap3A_94 = arith.index_cast %scan3A_34 : i32 to index
      %swap3A_95 = arith.constant 80 : index
      %swap3A_96 = tpu.vector_load %arg6[%swap3A_94, %swap3A_95] {strides = array<i32>} : memref<128x128xf32, #tpu.memory_space<vmem>>, vector<1x16xf32>,
      %swap3A_97 = vector.shape_cast %swap3A_96 : vector<1x16xf32> to vector<16xf32>
      %swap3A_98 = vector.shape_cast %mul3A_93 : vector<16xf32> to vector<1x16xf32>
      tpu.vector_store %arg6[%swap3A_94, %swap3A_95], %swap3A_98 {strides = array<i32>} : memref<128x128xf32, #tpu.memory_space<vmem>>, vector<1x16xf32>,
      %get3A_99 = arith.index_cast %scan3A_34 : i32 to index
      %get3A_100 = arith.constant 96 : index
      %get3A_101 = tpu.vector_load %arg6[%get3A_99, %get3A_100] {strides = array<i32>} : memref<128x128xf32, #tpu.memory_space<vmem>>, vector<1x16xf32>,
      %get3A_102 = vector.shape_cast %get3A_101 : vector<1x16xf32> to vector<16xf32>
      %mul3A_103 = vector.broadcast %scan3A_28 : f32 to vector<16xf32>
      %mul3A_104 = arith.mulf %get3A_102, %mul3A_103 : vector<16xf32>
      %swap3A_105 = arith.index_cast %scan3A_34 : i32 to index
      %swap3A_106 = arith.constant 96 : index
      %swap3A_107 = tpu.vector_load %arg6[%swap3A_105, %swap3A_106] {strides = array<i32>} : memref<128x128xf32, #tpu.memory_space<vmem>>, vector<1x16xf32>,
      %swap3A_108 = vector.shape_cast %swap3A_107 : vector<1x16xf32> to vector<16xf32>
      %swap3A_109 = vector.shape_cast %mul3A_104 : vector<16xf32> to vector<1x16xf32>
      tpu.vector_store %arg6[%swap3A_105, %swap3A_106], %swap3A_109 {strides = array<i32>} : memref<128x128xf32, #tpu.memory_space<vmem>>, vector<1x16xf32>,
      %get3A_110 = arith.index_cast %scan3A_34 : i32 to index
      %get3A_111 = arith.constant 112 : index
      %get3A_112 = tpu.vector_load %arg6[%get3A_110, %get3A_111] {strides = array<i32>} : memref<128x128xf32, #tpu.memory_space<vmem>>, vector<1x16xf32>,
      %get3A_113 = vector.shape_cast %get3A_112 : vector<1x16xf32> to vector<16xf32>
      %mul3A_114 = vector.broadcast %scan3A_28 : f32 to vector<16xf32>
      %mul3A_115 = arith.mulf %get3A_113, %mul3A_114 : vector<16xf32>
      %swap3A_116 = arith.index_cast %scan3A_34 : i32 to index
      %swap3A_117 = arith.constant 112 : index
      %swap3A_118 = tpu.vector_load %arg6[%swap3A_116, %swap3A_117] {strides = array<i32>} : memref<128x128xf32, #tpu.memory_space<vmem>>, vector<1x16xf32>,
      %swap3A_119 = vector.shape_cast %swap3A_118 : vector<1x16xf32> to vector<16xf32>
      %swap3A_120 = vector.shape_cast %mul3A_115 : vector<16xf32> to vector<1x16xf32>
      tpu.vector_store %arg6[%swap3A_116, %swap3A_117], %swap3A_120 {strides = array<i32>} : memref<128x128xf32, #tpu.memory_space<vmem>>, vector<1x16xf32>,
    }
    %scan3A_33 = arith.constant 128 : i32
    "tpu.region"() ({
      %run_scoped3A = tpu.sem_alloc : memref<!tpu.dma_semaphore, #tpu.memory_space<semaphore_mem>>
      %dma_start3A_34 = arith.constant 0 : i32
      %dma_start3A_35 = tpu.memref_slice %arg4[%multiple_of3A, %dma_start3A_34] : memref<4096x128xf32, #tpu.memory_space<hbm>> -> memref<128x128xf32, #tpu.memory_space<hbm>>
      %dma_start3A_36 = arith.constant 0 : i32
      %dma_start3A_37 = tpu.memref_slice %arg4[%multiple_of3A, %dma_start3A_36] : memref<4096x128xf32, #tpu.memory_space<hbm>> -> memref<128x128xf32, #tpu.memory_space<hbm>>
      tpu.enqueue_dma source(%arg6 : memref<128x128xf32, #tpu.memory_space<vmem>>) target(%dma_start3A_37 : memref<128x128xf32, #tpu.memory_space<hbm>>) target_semaphore(%run_scoped3A : memref<!tpu.dma_semaphore, #tpu.memory_space<semaphore_mem>>)
      %dma_wait3A_38 = arith.constant 0 : i32
      %dma_wait3A_39 = tpu.memref_slice %arg4[%multiple_of3A, %dma_wait3A_38] : memref<4096x128xf32, #tpu.memory_space<hbm>> -> memref<128x128xf32, #tpu.memory_space<hbm>>
      %dma_wait3A_40 = arith.constant 0 : i32
      %dma_wait3A_41 = tpu.memref_slice %arg4[%multiple_of3A, %dma_wait3A_40] : memref<4096x128xf32, #tpu.memory_space<hbm>> -> memref<128x128xf32, #tpu.memory_space<hbm>>
      tpu.wait_dma2 semaphore(%run_scoped3A : memref<!tpu.dma_semaphore, #tpu.memory_space<semaphore_mem>>) src(%arg6 : memref<128x128xf32, #tpu.memory_space<vmem>>) dst(%dma_wait3A_41 : memref<128x128xf32, #tpu.memory_space<hbm>>)
      tpu.yield
    }) : () -> ()
    return
  }
}

</mosaic_0001>

<sc_bundles>
// kernel: kernel.3.cloned.1.call-start
scs
__scs_entry_jumppad:
0x0: {  	(pc) =	sbr.rel $0x88, $3  }
0x1: {  	(tag) =	ssettag $0x0;
	lr =	simm.s32 $0x1  }
0x2: {  	[smem:$0x3F9F] =	sst lr;
	_ =	strace $0xD0000000  }
0x3: {  	_ = 	snop  }
0x4: {  	_ = 	snop  }
0x5: {  	_ = 	snop  }
0x6: {  	_ = 	snop  }
0x7: {  	_ = 	snop  }
__scs_overlays_trampoline_lowered:
0x8: {  	[smem:$0x3FAE] =	sst s0  }
0x9: {  	[smem:$0x3FAF] =	sst s1  }
0xa: {  	[smem:$0x3FB0] =	sst s2  }
0xb: {  	[smem:$0x3FB1] =	sst s3  }
0xc: {  	[smem:$0x3FB2] =	sst s4  }
0xd: {  	[smem:$0x3FB3] =	sst s5  }
0xe: {  	[smem:$0x3FB4] =	sst s6  }
0xf: {  	[smem:$0x3FB5] =	sst s7  }
0x10: {  	[smem:$0x3FB6] =	sst s8  }
0x11: {  	[smem:$0x3FB7] =	sst s9;
	s0 =	simm.s32 @!p0 $0x0  }
0x12: {  	s1 =	sld [smem:$0x3F9D];
	s0 =	simm.s32 @p0 $0x1  }
0x13: {  	[smem:$0x3FB8] =	sst s0;
	s0 =	simm.s32 @!p1 $0x0  }
0x14: {  	s2 =	sld [smem:$0x3F9C];
	s0 =	simm.s32 @p1 $0x1  }
0x15: {  	[smem:$0x3FB9] =	sst s0;
	s0 =	simm.s32 @!p2 $0x0  }
0x16: {  	s3 =	sld [smem:$0x3FDB];
	s0 =	simm.s32 @p2 $0x1  }
0x17: {  	s4 =	simm.s32 $0x1BF5;
	[smem:$0x3FBB] =	sst s0  }
0x18: {  	s0 =	sld [smem:$0x3F9E];
	_ =	swait.ge [sflag:s4], $0x0  }
0x19: {  	s7 =	sld [smem:$0x3F9F]  }
0x1a: {  	s8 =	sadd.s32 $0xFFFFE003, lr  }
0x1b: {  	s9 =	sadd.s32 $0xFFFFFEF7, lr;
	s5 =	simm.s32 $0xFFFFFFFF;
	p2 =	slt.u32 s8, $0xFFFFF086  }
0x1c: {  	p1 =	slt.u32 s9, $0xF7A;
	s5 =	simm.s32 @!p2 $0x0  }
0x1d: {  	s5 =	simm.s32 @p1 $0x1;
	p0 =	seq.s32 s7, s2  }
0x1e: {  	s7 =	smul.u32 @!p0 $0xF7A, s2;
	p2 =	seq.s32 @!p0 s5, $0x0  }
0x1f: {  	s9 =	smul.u32 $0xF7A, s1;
	s8 =	simm.s32 @!p0 $0x1BF5;
	p2 =	por !p2, p0  }
0x20: {  	[sflag:s8] =	ssyncset.s32 @!p0 $0xFFFFF086;
	s6 =	sadd.s32 @!p0 s3, s7;
	s7 =	simm.s32 @!p0 $0x108  }
0x21: {  	s3 =	sadd.s32 s3, s9;
	s6 =	sadd.s32 @!p0 $0x88, s6;
	s7 =	simm.s32 @p2 $0x1082  }
0x22: {  	[simem:s7], [sflag:s8] =	dma.local @!p0 [hbm:s6], $0xF7A  }
0x23: {  	s9 =	sor.u32 $0xD0000000, s2;
	s6 =	simm.s32 $0x108;
	_ =	swait.ge @!p0 [sflag:s8], $0x0  }
0x24: {  	s3 =	sadd.s32 $0x88, s3;
	s6 =	simm.s32 @!p1 $0x1082;
	[sflag:s4] =	ssyncset.s32 $0xFFFFF086  }
0x25: {  	[simem:s6], [sflag:s4] =	dma.local [hbm:s3], $0xF7A  }
0x26: {  	[smem:$0x3F9F] =	sst s1;
	(tag) =	ssettag s2;
	_ =	strace s9  }
0x27: {  	s1 =	sld [smem:$0x3FAF]  }
0x28: {  	s2 =	sld [smem:$0x3FB0]  }
0x29: {  	s4 =	sld [smem:$0x3FB2]  }
0x2a: {  	p0 =	seq.s32 s5, $0x0;
	s5 =	sld [smem:$0x3FB3]  }
0x2b: {  	s6 =	sld [smem:$0x3FB4]  }
0x2c: {  	s7 =	sld [smem:$0x3FB5]  }
0x2d: {  	s3 =	simm.s32 $0x108;
	s8 =	sld [smem:$0x3FB6]  }
0x2e: {  	s3 =	simm.s32 @!p0 $0x1082;
	s9 =	sld [smem:$0x3FB7]  }
0x2f: {  	lr =	sadd.s32 s0, s3;
	s0 =	sld [smem:$0x3FAE]  }
0x30: {  	s3 =	sld [smem:$0x3FB1]  }
0x31: {  	[smem:$0x3FBA] =	sst s10  }
0x32: {  	s10 =	sld [smem:$0x3FB8];
	_ =	sdelay $0x3  }
0x33: {  	p0 =	seq.s32 s10, $0x1;
	s10 =	sld [smem:$0x3FBA];
	_ =	sdelay $0x3  }
0x34: {  	[smem:$0x3FBA] =	sst s10  }
0x35: {  	s10 =	sld [smem:$0x3FB9];
	_ =	sdelay $0x3  }
0x36: {  	p1 =	seq.s32 s10, $0x1;
	s10 =	sld [smem:$0x3FBA];
	_ =	sdelay $0x3  }
0x37: {  	[smem:$0x3FBA] =	sst s10  }
0x38: {  	s10 =	sld [smem:$0x3FBB]  }
0x39: {  	_ = 	snop;
	(pc) =	sbr.ind lr, $3  }
0x3a: {  	_ = 	snop  }
0x3b: {  	_ = 	snop  }
0x3c: {  	p2 =	seq.s32 s10, $0x1;
	s10 =	sld [smem:$0x3FBA]  }
0x3d: {  	_ =	shalt  }
0x3e: {  	_ =	shalt  }
0x3f: {  	_ =	shalt  }
0x40: {  	_ =	shalt  }
0x41: {  	_ =	shalt  }
0x42: {  	_ =	shalt  }
0x43: {  	_ =	shalt  }
0x44: {  	_ =	shalt  }
0x45: {  	_ =	shalt  }
0x46: {  	_ =	shalt  }
0x47: {  	_ =	shalt  }
0x48: {  	_ =	shalt  }
0x49: {  	_ =	shalt  }
0x4a: {  	_ =	shalt  }
0x4b: {  	_ =	shalt  }
0x4c: {  	_ =	shalt  }
0x4d: {  	_ =	shalt  }
0x4e: {  	_ =	shalt  }
0x4f: {  	_ =	shalt  }
0x50: {  	_ =	shalt  }
0x51: {  	_ =	shalt  }
0x52: {  	_ =	shalt  }
0x53: {  	_ =	shalt  }
0x54: {  	_ =	shalt  }
0x55: {  	_ =	shalt  }
0x56: {  	_ =	shalt  }
0x57: {  	_ =	shalt  }
0x58: {  	_ =	shalt  }
0x59: {  	_ =	shalt  }
0x5a: {  	_ =	shalt  }
0x5b: {  	_ =	shalt  }
0x5c: {  	_ =	shalt  }
0x5d: {  	_ =	shalt  }
0x5e: {  	_ =	shalt  }
0x5f: {  	_ =	shalt  }
0x60: {  	_ =	shalt  }
0x61: {  	_ =	shalt  }
0x62: {  	_ =	shalt  }
0x63: {  	_ =	shalt  }
0x64: {  	_ =	shalt  }
0x65: {  	_ =	shalt  }
0x66: {  	_ =	shalt  }
0x67: {  	_ =	shalt  }
0x68: {  	_ =	shalt  }
0x69: {  	_ =	shalt  }
0x6a: {  	_ =	shalt  }
0x6b: {  	_ =	shalt  }
0x6c: {  	_ =	shalt  }
0x6d: {  	_ =	shalt  }
0x6e: {  	_ =	shalt  }
0x6f: {  	_ =	shalt  }
0x70: {  	_ =	shalt  }
0x71: {  	_ =	shalt  }
0x72: {  	_ =	shalt  }
0x73: {  	_ =	shalt  }
0x74: {  	_ =	shalt  }
0x75: {  	_ =	shalt  }
0x76: {  	_ =	shalt  }
0x77: {  	_ =	shalt  }
0x78: {  	_ =	shalt  }
0x79: {  	_ =	shalt  }
0x7a: {  	_ =	shalt  }
0x7b: {  	_ =	shalt  }
0x7c: {  	_ =	shalt  }
0x7d: {  	_ =	shalt  }
0x7e: {  	_ =	shalt  }
0x7f: {  	_ =	shalt  }
0x80: {  	_ =	shalt  }
0x81: {  	_ =	shalt  }
0x82: {  	_ =	shalt  }
0x83: {  	_ =	shalt  }
0x84: {  	_ =	shalt  }
0x85: {  	_ =	shalt  }
0x86: {  	_ =	shalt  }
0x87: {  	_ =	shalt  }
.Lfunc_end0:
.L_simem_size_0:
called_computation_lowered:
.L_overlay_start_0:
0x88: {  	s2 =	sld [smem:$0x3FD9]  }
0x89: {  	s3 =	sld [smem:$0x3FFE];
	_ =	sdelay $0x1  }
0x8a: {  	s1 =	srdreg.scid  }
0x8b: {  	s0 =	sand.u32 $0x1, s1  }
0x8c: {  	s18 =	sshll.u32 s0, $0xA;
	s2 =	sadd.s32 s3, s2  }
0x8d: {  	s2 =	sadd.s32 s2, s18  }
0x8e: {  	[smem:$0x3FC6] =	sst s2  }
0x8f: {  	_ = 	snop  }
0x90: {  	s2 =	sld [smem:$0x3FC9]  }
0x91: {  	s19 =	sld [smem:$0x3FC8]  }
0x92: {  	s4 =	sld [smem:$0x3FD0];
	(tm) =	ssettm $0x1  }
0x93: {  	s5 =	sld [smem:$0x3FFB];
	_ =	sdelay $0x3  }
0x94: {  	_ =	strace s5  }
0x95: {  	s5 =	sld [smem:$0x3FFC];
	_ =	sdelay $0x3  }
0x96: {  	_ =	strace s5  }
0x97: {  	s5 =	sld [smem:$0x3FFD];
	_ =	sdelay $0x3  }
0x98: {  	_ =	strace s5  }
0x99: {  	_ =	strace $0x8FFFFFFF  }
0x9a: {  	s20 =	sld [smem:$0x3FDB];
	_ =	sdelay $0x1  }
0x9b: {  	s6 =	simm.s32 $_scs_section_size  }
0x9c: {  	s7 =	simm.s32 $_size__tile_overlayer_lowered;
	s8 =	simm.s32 $_tile_overlayer_lowered  }
0x9d: {  	s23 =	simm.s32 $0x1BFF;
	s22 =	sshll.u32 s8, $0x1;
	s5 =	sadd.s32 s6, s20  }
0x9e: {  	s9 =	simm.s32 $0x0;
	s21 =	sshll.u32 s7, $0x1;
	s7 =	sadd.s32 s22, s5  }
0x9f: {  	[timem:s9], [sflag:s23] =	dma.local [hbm:s7], s21  }
0xa0: {  	_ =	swait.ge [sflag:s23], s21  }
0xa1: {  	s6 =	ssub.s32 $0x0, s21;
	[sflag:s23] =	ssyncset.done $0x0  }
0xa2: {  	[sflag:s23] =	ssyncadd.s32 s6;
	_ =	sdelay $0x1  }
0xa3: {  	s24 =	simm.s32 $0x1B8B  }
0xa4: {  	_ =	swait.ge [sflag:s24], $0x1  }
0xa5: {  	[sflag:s24] =	ssyncset.done $0x0  }
0xa6: {  	s25 =	simm.s32 $0x1B8E;
	[sflag:s24] =	ssyncadd.s32 $0xFFFFFFFF  }
0xa7: {  	s26 =	simm.s32 $execute0_lowered;
	[smem:$0x3FD2] =	sst s25  }
0xa8: {  	s6 =	sshll.u32 s26, $0x1;
	_ =	strace $0x80000046;
	[dreg:$0x1] =	wrdreg $0xFFFFFFFF  }
0xa9: {  	s28 =	simm.s32 $_size_execute0_lowered;
	s5 =	sadd.s32 s5, s6;
	[dreg:$0x0] =	wrdreg $0x0  }
0xaa: {  	s6 =	sshll.u32 s28, $0x1;
	[dreg:$0x2] =	wrdreg s5  }
0xab: {  	[dreg:$0x3] =	wrdreg s6  }
0xac: {  	[dreg:$0x4] =	wrdreg $0xC0  }
0xad: {  	_ =	task [dreg:s9], $0x5FFFF  }
0xae: {  	[dreg:$0x1] =	wrdreg $0xFFFFFFFF  }
0xaf: {  	[dreg:$0x0] =	wrdreg $0x60  }
0xb0: {  	[dreg:$0x2] =	wrdreg s2  }
0xb1: {  	[dreg:$0x3] =	wrdreg s19  }
0xb2: {  	[dreg:$0x4] =	wrdreg s4  }
0xb3: {  	[dreg:$0x5] =	wrdreg $0x9  }
0xb4: {  	_ =	task.clear_ibuf [dreg:s9], $0x6FFFF;
	_ =	strace $0x90000046  }
0xb5: {  	s29 =	simm.s32 $0x9;
	_ =	strace $0x80000048  }
0xb6: {  	_ =	swait.ge [sflag:s29], $0x1  }
0xb7: {  	[sflag:s29] =	ssyncadd.s32 $0xFFFFFFFF  }
0xb8: {  	_ =	strace $0x90000048  }
0xb9: {  	_ =	sfence  }
0xba: {  	s30 =	sld [smem:$0x0];
	_ =	sdelay $0x2  }
0xbb: {  	s31 =	sshll.u32 s1, $0xD;
	s1 =	sshrl.u32 s1, $0x2  }
0xbc: {  	s3 =	sand.u32 $0x4000, s31;
	s1 =	sadd.s32 s1, s30  }
0xbd: {  	s0 =	sor.u32 s3, s0;
	s1 =	sshll.u32 s1, $0x11  }
0xbe: {  	s0 =	sor.u32 s1, s0  }
0xbf: {  	s0 =	sadd.s32 $0x8F2B, s0  }
0xc0: {  	[sflag:s0] =	ssyncadd.remote.s32 $0x1  }
0xc1: {  	_ =	sfence.sel $0xFFFF  }
0xc2: {  	[dreg:$0x0] =	wrdreg $0xFFFFFFFF;
	(pc) =	sbr.abs _section_cstart, $3  }
0xc3: {  	[dreg:$0x1] =	wrdreg $0xFFFFFFFF  }
0xc4: {  	_ =	task.clear_ibuf [dreg:s9], $0x2FFFF;
	_ =	strace $0x9FFFFFFF  }
0xc5: {  	(tm) =	ssettm $0x7FFFFFFF  }
tec
execute0_lowered:
.L_overlay_start_1:
0x0: {  	(tag) =	ssettag $0x1  }
0x1: {  	s4 =	rddreg [dreg:$0x0]  }
0x2: {  	s1 =	rddreg [dreg:$0x1]  }
0x3: {  	s6 =	rddreg [dreg:$0x2]  }
0x4: {  	s0 =	rddreg [dreg:$0x3];
	s5 =	srdreg.scid  }
0x5: {  	s3 =	simm.s32 $0x0;
	s2 =	stileid.u32;
	s9 =	simm.s32 $0x8000  }
0x6: {  	s10 =	simm.s32 $0x1800;
	s11 =	simm.s32 $0x1;
	s12 =	simm.s32 $0x80  }
0x7: {  	s13 =	simm.s32 $0x1C00;
	s14 =	simm.s32 $0x4;
	s5 =	sand.u32 $0x1, s5  }
0x8: {  	s15 =	simm.s32 $0x0;
	s8 =	sshll.u32 s2, $0x7;
	s7 =	sshll.u32 s5, $0xB  }
0x9: {  	[smem:$0x7FF] =	sst s3;
	s5 =	ssub.s32 $0x2, s5;
	s7 =	sor.u32 s8, s7  }
0xa: {  	_ =	strace $0x80000047;
	s31 =	sshrl.u32 s5, $0x1;
	s4 =	sadd.s32 s4, s7  }
0xb: {  	s7 =	sshll.u32 s7, $0x4;
	s8 =	ssub.s32 s5, s31;
	s5 =	sadd.s32 $0x6000, s4  }
0xc: {  	v0 =	vimm.f32 $0.0e+00;
	s6 =	sadd.s32 s6, s7;
	s7 =	smax.u32 s8, $0x1;
	s8 =	simm.s32 $0x400  }
.LBB2_1:
0xd: {  	[tilespmem:s3], [sflag:$0x1] =	stream.strided.gather [hbm4b:s4+s8], $0x1800, s9, s8, $0x38;
	[tilespmem:$0x5C00] =	vst v63  }
0xe: {  	s16 =	simm.s32 $0x0;
	s17 =	simm.s32 $0x200  }
0xf: {  	[tilespmem:s10], [sflag:$0x1] =	stream.linear.gather [hbm4b:s5+s3], $0x100, $0x38;
	[tilespmem:$0x5C00] =	vst v63  }
.LBB2_2:
0x10: {  	p0 =	sne.s32 s17, $0xFE00;
	[tilespmem:s16+$0x1C70] =	vst v0  }
0x11: {  	[tilespmem:s16+$0x1C00] =	vst v0  }
0x12: {  	[tilespmem:s16+$0x1C10] =	vst v0  }
.Ltmp0:
0x13: {  	[tilespmem:s16+$0x1C20] =	vst v0;
	(pc) =	sbr.rel @p0 .LBB2_2-.Ltmp0, $4  }
0x14: {  	[tilespmem:s16+$0x1C30] =	vst v0  }
0x15: {  	[tilespmem:s16+$0x1C40] =	vst v0  }
0x16: {  	[tilespmem:s16+$0x1C50] =	vst v0  }
0x17: {  	[tilespmem:s16+$0x1C60] =	vst v0;
	s16 =	sshra.s32 s17, $0x2;
	s17 =	sadd.s32 $0x200, s17  }
0x18: {  	[tilespmem:s16+$0x1C70] =	vst v0  }
0x19: {  	[tilespmem:s16+$0x1C00] =	vst v0  }
0x1a: {  	[tilespmem:s16+$0x1C10] =	vst v0  }
0x1b: {  	[tilespmem:s16+$0x1C20] =	vst v0  }
0x1c: {  	[tilespmem:s16+$0x1C30] =	vst v0  }
0x1d: {  	[tilespmem:s16+$0x1C40] =	vst v0  }
0x1e: {  	[tilespmem:s16+$0x1C50] =	vst v0  }
0x1f: {  	[tilespmem:s16+$0x1C60] =	vst v0  }
0x20: {  	s16 =	simm.s32 $0x0;
	_ =	swait.ge [sflag:s11], $0x1900  }
0x21: {  	s17 =	sand.u32 $0x1, s16;
	[sflag:s11] =	ssyncset.done $0x0  }
0x22: {  	s17 =	sor.u32 $0x2, s17;
	[sflag:s11] =	ssyncadd.s32 $0xFFFFE700  }
0x23: {  	[tilespmem:s13], [sflag:s17] =	stream.indirect.gather.add.f32 [hbm:s1], $0x80, s16, s12, $0xb8;
	[tilespmem:$0x5C00] =	vst v63  }
0x24: {  	s18 =	simm.s32 $0x0;
	s17 =	simm.s32 $0x1  }
.LBB2_4:
0x25: {  	p0 =	sne.s32 s17, $0x31  }
.Ltmp1:
0x26: {  	_ = 	snop;
	(pc) =	sbr.rel @p0 .LBB2_4-.Ltmp1, $4  }
0x27: {  	_ = 	snop  }
0x28: {  	s19 =	sand.u32 $0x1, s17;
	s17 =	sadd.s32 $0x1, s17  }
0x29: {  	s18 =	sadd.s32 $0x80, s18;
	s19 =	sor.u32 $0x2, s19  }
0x2a: {  	[tilespmem:s13], [sflag:s19] =	stream.indirect.gather.add.f32 [hbm:s1], $0x80, s18, s12, $0xb8;
	[tilespmem:$0x5C00] =	vst v63  }
.LBB2_5:
0x2b: {  	p0 =	sne.s32 s16, $0x31  }
.Ltmp2:
0x2c: {  	s17 =	sand.u32 $0x1, s16;
	(pc) =	sbr.rel @p0 .LBB2_5-.Ltmp2, $4  }
0x2d: {  	s17 =	sor.u32 $0x2, s17  }
0x2e: {  	_ =	swait.ge [sflag:s17], $0x4000  }
0x2f: {  	[sflag:s17] =	ssyncset.done $0x0  }
0x30: {  	s16 =	sadd.s32 $0x1, s16;
	[sflag:s17] =	ssyncadd.s32 $0xFFFFC000  }
0x31: {  	s16 =	simm.s32 $0x0  }
0x32: {  	v4 =	vld [tilespmem:s16+$0x1C00]  }
0x33: {  	v6 =	vld [tilespmem:s16+$0x1C10]  }
0x34: {  	v5 =	vld [tilespmem:s16+$0x1C20]  }
0x35: {  	v3 =	vld [tilespmem:s16+$0x1C30]  }
0x36: {  	v1 =	vld [tilespmem:s16+$0x1C40]  }
0x37: {  	v2 =	vld [tilespmem:s16+$0x1C50];
	v7 =	vmul.f32 $1.999999960e-02, v4  }
0x38: {  	s17 =	simm.s32 $0x200;
	v6 =	vmul.f32 $1.999999960e-02, v6;
	v4 =	vld [tilespmem:s16+$0x1C60]  }
.LBB2_7:
0x39: {  	s18 =	sshra.s32 s17, $0x2;
	p0 =	sne.s32 s17, $0xFE00;
	[tilespmem:s16+$0x1C00] =	vst v7;
	v5 =	vmul.f32 $1.999999960e-02, v5;
	v7 =	vld [tilespmem:s16+$0x1C70]  }
0x3a: {  	v8 =	vld [tilespmem:s18+$0x1C00];
	[tilespmem:s16+$0x1C10] =	vst v6;
	v3 =	vmul.f32 $1.999999960e-02, v3  }
0x3b: {  	v6 =	vld [tilespmem:s18+$0x1C10];
	[tilespmem:s16+$0x1C20] =	vst v5;
	v1 =	vmul.f32 $1.999999960e-02, v1  }
.Ltmp3:
0x3c: {  	v5 =	vld [tilespmem:s18+$0x1C20];
	[tilespmem:s16+$0x1C30] =	vst v3;
	v2 =	vmul.f32 $1.999999960e-02, v2;
	(pc) =	sbr.rel @p0 .LBB2_7-.Ltmp3, $4  }
0x3d: {  	v3 =	vld [tilespmem:s18+$0x1C30];
	[tilespmem:s16+$0x1C40] =	vst v1;
	v4 =	vmul.f32 $1.999999960e-02, v4  }
0x3e: {  	v1 =	vld [tilespmem:s18+$0x1C40];
	[tilespmem:s16+$0x1C50] =	vst v2;
	v9 =	vmul.f32 $1.999999960e-02, v7  }
0x3f: {  	v7 =	vmul.f32 $1.999999960e-02, v8;
	v2 =	vld [tilespmem:s18+$0x1C50];
	[tilespmem:s16+$0x1C60] =	vst v4  }
0x40: {  	s17 =	sadd.s32 $0x200, s17;
	v6 =	vmul.f32 $1.999999960e-02, v6;
	v4 =	vld [tilespmem:s18+$0x1C60];
	[tilespmem:s16+$0x1C70] =	vst v9;
	s16 =	smov.u32 s18  }
0x41: {  	[tilespmem:s16+$0x1C00] =	vst v7;
	v5 =	vmul.f32 $1.999999960e-02, v5;
	v63 =	vld [tilespmem:s16+$0x1C70]  }
0x42: {  	[tilespmem:s16+$0x1C10] =	vst v6;
	v3 =	vmul.f32 $1.999999960e-02, v3  }
0x43: {  	[tilespmem:s16+$0x1C20] =	vst v5;
	v1 =	vmul.f32 $1.999999960e-02, v1  }
0x44: {  	[tilespmem:s16+$0x1C30] =	vst v3;
	v2 =	vmul.f32 $1.999999960e-02, v2  }
0x45: {  	[tilespmem:s16+$0x1C40] =	vst v1;
	v1 =	vmul.f32 $1.999999960e-02, v4  }
0x46: {  	s15 =	sadd.s32 $0x1, s15;
	[tilespmem:s16+$0x1C50] =	vst v2;
	v2 =	vmul.f32 $1.999999960e-02, v63  }
0x47: {  	p0 =	sne.s32 s15, s7;
	[tilespmem:s16+$0x1C60] =	vst v1  }
.Ltmp4:
0x48: {  	[tilespmem:s16+$0x1C70] =	vst v2;
	(pc) =	sbr.rel @p0 .LBB2_1-.Ltmp4, $4  }
0x49: {  	[hbm4b:s6+s3] =	stream.linear.scatter [tilespmem:s13], [sflag:$0x4], $0x4000, $0x38;
	[tilespmem:$0x5C00] =	vst v63  }
0x4a: {  	_ =	swait.ge [sflag:s14], $0x4000  }
0x4b: {  	[sflag:s14] =	ssyncset.done $0x0  }
0x4c: {  	[sflag:s14] =	ssyncadd.s32 $0xFFFFC000  }
0x4d: {  	_ =	sfence.sel $0x180000  }
0x4e: {  	[bflag:$0x0] =	sbarrier.arrive $0xFFFF  }
0x4f: {  	p0 =	sne.s32 s2, $0x0;
	_ =	strace $0x90000047  }
0x50: {  	s0 =	sadd.s32 @!p0 $0x100000, s0;
	[bflag:$0x2] =	sbarrier.arrive $0xFFFF  }
0x51: {  	[sflag:s0] =	ssyncadd.tile.s32 @!p0 $0x1;
	_ =	shalt  }
.Lfunc_end2:
_tile_overlayer_lowered:
.L_overlay_start_2:
0x52: {  	(tag) =	ssettag $0x2  }
0x53: {  	s0 =	rddreg [dreg:$0x0];
	s2 =	stileid.u32  }
0x54: {  	s1 =	rddreg [dreg:$0x1];
	p0 =	sne.s32 s2, $0x0  }
0x55: {  	s3 =	rddreg [dreg:$0x2];
	[bflag:$0x3] =	sbarrier.arrive $0xFFFF;
	s2 =	simm.s32 @!p0 $0x1C04  }
0x56: {  	[timem:s3], [sflag:s2] =	dma.local @!p0 [hbm:s0], s1  }
0x57: {  	s0 =	simm.s32 @!p0 $0x4  }
0x58: {  	_ =	swait.ge @!p0 [sflag:s0], s1  }
0x59: {  	s1 =	ssub.s32 @!p0 $0x0, s1;
	[sflag:s0] =	ssyncset.done @!p0 $0x0  }
0x5a: {  	[sflag:s0] =	ssyncadd.s32 @!p0 s1  }
0x5b: {  	[bflag:$0x3] =	sbarrier.arrive $0xFFFF  }
0x5c: {  	_ =	shalt  }

</sc_bundles>
